<compile_context>
chip_gen: v7x
topology: tpu7x:2x2x1
jax: 0.10.2.dev20260603
libtpu: 0.0.44.dev20260713+nightly
codegen_flags: <defaults>
</compile_context>

<pallas_src>
import functools

import jax
import jax.numpy as jnp
from jax import lax
from jax.experimental import pallas as pl
from jax.experimental.pallas import tpu as pltpu
from jax.experimental.pallas import tpu_sc as plsc

NC = 2
NS = 16
NW = NC * NS
L = 16
CHUNK = 128
BLKE = 1024
TRASH = 32


@functools.lru_cache(maxsize=None)
def _sc_edge_agg(n, d, e_pad):
    per_tile = e_pad // NW
    n_blocks = per_tile // BLKE
    gran = NS * L
    cnt_pad = ((n + TRASH + gran - 1) // gran) * gran
    cslab = cnt_pad // NS
    assert per_tile % BLKE == 0 and cslab % L == 0

    mesh = plsc.VectorSubcoreMesh(core_axis_name="c", subcore_axis_name="s")

    @functools.partial(
        pl.kernel,
        out_type=jax.ShapeDtypeStruct((NC * cnt_pad,), jnp.float32),
        mesh=mesh,
        scratch_types=[
            pltpu.VMEM_SHARED((cnt_pad,), jnp.float32),
            pltpu.VMEM((BLKE,), jnp.int32),
            pltpu.VMEM((BLKE,), jnp.int32),
            pltpu.VMEM((CHUNK,), jnp.int32),
            pltpu.VMEM((CHUNK, d), jnp.float32),
            pltpu.VMEM((CHUNK,), jnp.float32),
            pltpu.VMEM((cslab,), jnp.float32),
            pltpu.SemaphoreType.DMA,
        ],
    )
    def edge_agg(x_hbm, src_hbm, dst_hbm, acc_ref, cntp_hbm,
                 cacc_sh, src_v, dst_v, idx_v, rows_v, ones_v, stg_v, sem):
        c = lax.axis_index("c")
        s = lax.axis_index("s")
        wid = s * NC + c
        zero16 = jnp.zeros((L,), jnp.float32)
        one16 = jnp.ones((L,), jnp.float32)

        def ones_fill(l, _):
            ones_v[pl.ds(l * L, L)] = one16
            return 0
        lax.fori_loop(0, CHUNK // L, ones_fill, 0)

        def stg_fill(l, _):
            stg_v[pl.ds(l * L, L)] = zero16
            return 0
        lax.fori_loop(0, cslab // L, stg_fill, 0)

        pltpu.sync_copy(stg_v, cacc_sh.at[pl.ds(s * cslab, cslab)])
        plsc.subcore_barrier()

        def block_loop(b, _):
            boff = wid * per_tile + b * BLKE
            pltpu.sync_copy(src_hbm.at[pl.ds(boff, BLKE)], src_v)
            pltpu.sync_copy(dst_hbm.at[pl.ds(boff, BLKE)], dst_v)

            def chunk_loop(g, _):
                off = g * CHUNK

                def idx_copy(i, _):
                    idx_v[pl.ds(i * L, L)] = dst_v[pl.ds(off + i * L, L)]
                    return 0
                lax.fori_loop(0, CHUNK // L, idx_copy, 0)

                pltpu.async_copy(x_hbm.at[src_v.at[pl.ds(off, CHUNK)]],
                                 rows_v, sem).wait()
                pltpu.sync_copy(rows_v, acc_ref.at[idx_v], add=True)
                pltpu.sync_copy(ones_v, cacc_sh.at[idx_v], add=True)
                return 0
            return lax.fori_loop(0, BLKE // CHUNK, chunk_loop, 0)
        lax.fori_loop(0, n_blocks, block_loop, 0)

        plsc.subcore_barrier()

        pltpu.sync_copy(cacc_sh.at[pl.ds(s * cslab, cslab)], stg_v)
        pltpu.sync_copy(stg_v,
                        cntp_hbm.at[pl.ds(c * cnt_pad + s * cslab, cslab)])

    return edge_agg, cnt_pad


def _tc_tail_body(sum_ref, cnt_ref, x_ref, wl_ref, wr_ref, bl_ref,
                  g_ref, be_ref, o_ref):
    cnt = jnp.maximum(cnt_ref[...], 1.0)
    mean = sum_ref[...] / cnt
    out = (jnp.dot(mean, wl_ref[...], preferred_element_type=jnp.float32)
           + jnp.dot(x_ref[...], wr_ref[...], preferred_element_type=jnp.float32)
           + bl_ref[...])
    mu = jnp.mean(out, axis=-1, keepdims=True)
    ctr = out - mu
    var = jnp.mean(ctr * ctr, axis=-1, keepdims=True)
    h = ctr * lax.rsqrt(var + 1e-5) * g_ref[...] + be_ref[...]
    o_ref[...] = jnp.maximum(h, 0.0) + x_ref[...]


def _tc_tail(summed, cnt, x, wl_t, wr_t, bl, gamma, beta, block_rows):
    n, d = x.shape
    grid = (n // block_rows,)
    return pl.pallas_call(
        _tc_tail_body,
        grid=grid,
        in_specs=[
            pl.BlockSpec((block_rows, d), lambda i: (i, 0)),
            pl.BlockSpec((block_rows, 1), lambda i: (i, 0)),
            pl.BlockSpec((block_rows, d), lambda i: (i, 0)),
            pl.BlockSpec((d, d), lambda i: (0, 0)),
            pl.BlockSpec((d, d), lambda i: (0, 0)),
            pl.BlockSpec((1, d), lambda i: (0, 0)),
            pl.BlockSpec((1, d), lambda i: (0, 0)),
            pl.BlockSpec((1, d), lambda i: (0, 0)),
        ],
        out_specs=pl.BlockSpec((block_rows, d), lambda i: (i, 0)),
        out_shape=jax.ShapeDtypeStruct((n, d), jnp.float32),
    )(summed, cnt, x, wl_t, wr_t, bl, gamma, beta)


def kernel(x, edge_index, W_l, b_l, W_r, gamma, beta):
    n, d = x.shape
    e = edge_index.shape[1]
    src = edge_index[0]
    dst = edge_index[1]

    gran = NW * BLKE
    e_pad = ((e + gran - 1) // gran) * gran
    pad = e_pad - e
    if pad:
        src = jnp.concatenate([src, (jnp.arange(pad, dtype=jnp.int32) * 97) % n])
        dst = jnp.concatenate(
            [dst, n + (jnp.arange(pad, dtype=jnp.int32) % TRASH)])

    agg, cnt_pad = _sc_edge_agg(n, d, e_pad)
    acc = jax.new_ref(jnp.zeros((n + TRASH, d), jnp.float32))
    cntp = agg(x, src, dst, acc)
    summed = acc[...][:n]
    cnt = cntp[:n] + cntp[cnt_pad:cnt_pad + n]

    return _tc_tail(summed, cnt.reshape(n, 1), x,
                    W_l.T, W_r.T, b_l.reshape(1, d),
                    gamma.reshape(1, d), beta.reshape(1, d),
                    block_rows=1000)

# --- scband reference (transcript-rebuilt; emitter-appended) ---
"""Pipeline reference for scband-graph-sageskip-block-73186242724263 (READ-ONLY COPY).

The authoritative reference and input builder live on the scoring server;
editing this copy changes nothing except your own understanding.
"""

import jax, jax.numpy as jnp
import numpy as np

N = 10000
E = 160000
D = 256


def setup_inputs(seed: int = 0) -> dict:
    key = jax.random.key(seed)
    k1, k2, k3, k4, k5 = jax.random.split(key, 5)
    x = jax.random.normal(k1, (N, D), dtype=jnp.float32)
    edge_index = jax.random.randint(k2, (2, E), 0, N, dtype=jnp.int32)
    # SAGEConv params: lin_l applied to aggregated neighbors (has bias), lin_r applied to root
    W_l = jax.random.normal(k3, (D, D), dtype=jnp.float32) * (1.0 / np.sqrt(D))
    b_l = jnp.zeros((D,), dtype=jnp.float32)
    W_r = jax.random.normal(k4, (D, D), dtype=jnp.float32) * (1.0 / np.sqrt(D))
    # LayerNorm affine params
    gamma = jnp.ones((D,), dtype=jnp.float32)
    beta = jnp.zeros((D,), dtype=jnp.float32)
    return {"x": x, "edge_index": edge_index, "W_l": W_l, "b_l": b_l, "W_r": W_r, "gamma": gamma, "beta": beta}


def reference(x, edge_index, W_l, b_l, W_r, gamma, beta):
    n = x.shape[0]
    src = edge_index[0]
    dst = edge_index[1]
    # SAGEConv with mean aggregation: messages flow src -> dst
    msgs = jnp.take(x, src, axis=0)
    summed = jax.ops.segment_sum(msgs, dst, num_segments=n)
    cnt = jax.ops.segment_sum(jnp.ones((src.shape[0],), dtype=x.dtype), dst, num_segments=n)
    mean_agg = summed / jnp.clip(cnt, 1.0, None)[:, None]
    out = mean_agg @ W_l.T + b_l + x @ W_r.T
    # LayerNorm over last dim
    mu = jnp.mean(out, axis=-1, keepdims=True)
    var = jnp.mean((out - mu) ** 2, axis=-1, keepdims=True)
    h = (out - mu) / jnp.sqrt(var + 1e-5) * gamma + beta
    # activation
    h = jax.nn.relu(h)
    # dropout p=0.0 (eval) -> identity
    # residual (in_channels == out_channels)
    return h + x

if __name__ == "__main__":
    import jax
    _d = setup_inputs()
    print(jax.jit(kernel)(*tuple(_d.values())))

</pallas_src>

<mosaic_0001>
#map = affine_map<(d0, d1) -> (0, 0)>
#map1 = affine_map<(d0, d1) -> (0)>
module attributes {stable_mosaic.version = 14 : i64} {
  func.func @new_body(%arg0: i32, %arg1: i32, %arg2: memref<10000x256xf32, #tpu.memory_space<hbm>>, %arg3: memref<163840xi32, #tpu.memory_space<hbm>>, %arg4: memref<163840xi32, #tpu.memory_space<hbm>>, %arg5: memref<10032x256xf32, #tpu.memory_space<hbm>>, %arg6: memref<20480xf32, #tpu.memory_space<hbm>>, %arg7: memref<10032x256xf32, #tpu.memory_space<hbm>>, %arg8: memref<10240xf32, #tpu.memory_space<vmem_shared>>, %arg9: memref<1024xi32, #tpu.memory_space<vmem>>, %arg10: memref<1024xi32, #tpu.memory_space<vmem>>, %arg11: memref<128xi32, #tpu.memory_space<vmem>>, %arg12: memref<128x256xf32, #tpu.memory_space<vmem>>, %arg13: memref<128xf32, #tpu.memory_space<vmem>>, %arg14: memref<640xf32, #tpu.memory_space<vmem>>, %arg15: memref<!tpu.dma_semaphore, #tpu.memory_space<semaphore_mem>>) attributes {dimension_semantics = [#tpu.dimension_semantics<core_parallel>, #tpu.dimension_semantics<subcore_parallel>], iteration_bounds = array<i64: 2, 16>, scalar_prefetch = 0 : i64, scratch_operands = 8 : i64, tpu.core_type = #tpu.core_type<sc_vector_subcore>, window_params = [{transform_indices = #map}, {transform_indices = #map1}, {transform_indices = #map1}, {transform_indices = #map}, {transform_indices = #map1}, {transform_indices = #map}]} {
    %mul3A = arith.constant 2 : i32
    %mul3A_0 = arith.muli %arg1, %mul3A : i32
    %add3A = arith.addi %mul3A_0, %arg0 : i32
    %broadcast_in_dim3A = arith.constant 0.000000e+00 : f32
    %broadcast_in_dim3A_1 = vector.broadcast %broadcast_in_dim3A : f32 to vector<16xf32>
    %broadcast_in_dim3A_2 = arith.constant 1.000000e+00 : f32
    %broadcast_in_dim3A_3 = vector.broadcast %broadcast_in_dim3A_2 : f32 to vector<16xf32>
    %scan3A = arith.constant 0 : i32
    %scan3A_4 = arith.constant 0 : i32
    %scan3A_5 = arith.constant 8 : i32
    %scan3A_6 = arith.addi %scan3A_4, %scan3A_5 : i32
    %scan3A_7 = arith.constant 1 : i32
    %scan3A_8 = scf.for %scan3A_34 = %scan3A_4 to %scan3A_6 step %scan3A_7 iter_args(%scan3A_35 = %scan3A) -> (i32)  : i32 {
      %mul3A_36 = arith.constant 16 : i32
      %mul3A_37 = arith.muli %scan3A_34, %mul3A_36 : i32
      %swap3A = arith.index_cast %mul3A_37 : i32 to index
      %swap3A_38 = tpu.vector_load %arg13[%swap3A] {strides = array<i32>} : memref<128xf32, #tpu.memory_space<vmem>>, vector<16xf32>,
      %swap3A_39 = vector.shape_cast %swap3A_38 : vector<16xf32> to vector<16xf32>
      %swap3A_40 = vector.shape_cast %broadcast_in_dim3A_3 : vector<16xf32> to vector<16xf32>
      tpu.vector_store %arg13[%swap3A], %swap3A_40 {strides = array<i32>} : memref<128xf32, #tpu.memory_space<vmem>>, vector<16xf32>,
      %scan3A_41 = arith.constant 0 : i32
      scf.yield %scan3A_41 : i32
    }
    %scan3A_9 = arith.constant 8 : i32
    %scan3A_10 = arith.constant 0 : i32
    %scan3A_11 = arith.constant 0 : i32
    %scan3A_12 = arith.constant 40 : i32
    %scan3A_13 = arith.addi %scan3A_11, %scan3A_12 : i32
    %scan3A_14 = arith.constant 1 : i32
    %scan3A_15 = scf.for %scan3A_34 = %scan3A_11 to %scan3A_13 step %scan3A_14 iter_args(%scan3A_35 = %scan3A_10) -> (i32)  : i32 {
      %mul3A_36 = arith.constant 16 : i32
      %mul3A_37 = arith.muli %scan3A_34, %mul3A_36 : i32
      %swap3A = arith.index_cast %mul3A_37 : i32 to index
      %swap3A_38 = tpu.vector_load %arg14[%swap3A] {strides = array<i32>} : memref<640xf32, #tpu.memory_space<vmem>>, vector<16xf32>,
      %swap3A_39 = vector.shape_cast %swap3A_38 : vector<16xf32> to vector<16xf32>
      %swap3A_40 = vector.shape_cast %broadcast_in_dim3A_1 : vector<16xf32> to vector<16xf32>
      tpu.vector_store %arg14[%swap3A], %swap3A_40 {strides = array<i32>} : memref<640xf32, #tpu.memory_space<vmem>>, vector<16xf32>,
      %scan3A_41 = arith.constant 0 : i32
      scf.yield %scan3A_41 : i32
    }
    %scan3A_16 = arith.constant 40 : i32
    %mul3A_17 = arith.constant 640 : i32
    %mul3A_18 = arith.muli %arg1, %mul3A_17 : i32
    "tpu.region"() ({
      %run_scoped3A = tpu.sem_alloc : memref<!tpu.dma_semaphore, #tpu.memory_space<semaphore_mem>>
      %dma_start3A = tpu.memref_slice %arg8[%mul3A_18] : memref<10240xf32, #tpu.memory_space<vmem_shared>> -> memref<640xf32, #tpu.memory_space<vmem_shared>>
      %dma_start3A_34 = tpu.memref_slice %arg8[%mul3A_18] : memref<10240xf32, #tpu.memory_space<vmem_shared>> -> memref<640xf32, #tpu.memory_space<vmem_shared>>
      tpu.enqueue_dma source(%arg14 : memref<640xf32, #tpu.memory_space<vmem>>) target(%dma_start3A_34 : memref<640xf32, #tpu.memory_space<vmem_shared>>) target_semaphore(%run_scoped3A : memref<!tpu.dma_semaphore, #tpu.memory_space<semaphore_mem>>)
      %dma_wait3A = tpu.memref_slice %arg8[%mul3A_18] : memref<10240xf32, #tpu.memory_space<vmem_shared>> -> memref<640xf32, #tpu.memory_space<vmem_shared>>
      %dma_wait3A_35 = tpu.memref_slice %arg8[%mul3A_18] : memref<10240xf32, #tpu.memory_space<vmem_shared>> -> memref<640xf32, #tpu.memory_space<vmem_shared>>
      tpu.wait_dma2 semaphore(%run_scoped3A : memref<!tpu.dma_semaphore, #tpu.memory_space<semaphore_mem>>) src(%arg14 : memref<640xf32, #tpu.memory_space<vmem>>) dst(%dma_wait3A_35 : memref<640xf32, #tpu.memory_space<vmem_shared>>)
      tpu.yield
    }) : () -> ()
    %barrier3A = arith.constant 0 : index
    tpu.barrier barrier_id(%barrier3A)
    %scan3A_19 = arith.constant 0 : i32
    %scan3A_20 = arith.constant 0 : i32
    %scan3A_21 = arith.constant 5 : i32
    %scan3A_22 = arith.addi %scan3A_20, %scan3A_21 : i32
    %scan3A_23 = arith.constant 1 : i32
    %scan3A_24 = scf.for %scan3A_34 = %scan3A_20 to %scan3A_22 step %scan3A_23 iter_args(%scan3A_35 = %scan3A_19) -> (i32)  : i32 {
      %mul3A_36 = arith.constant 5120 : i32
      %mul3A_37 = arith.muli %add3A, %mul3A_36 : i32
      %mul3A_38 = arith.constant 1024 : i32
      %mul3A_39 = arith.muli %scan3A_34, %mul3A_38 : i32
      %add3A_40 = arith.addi %mul3A_37, %mul3A_39 : i32
      "tpu.region"() ({
        %run_scoped3A = tpu.sem_alloc : memref<!tpu.dma_semaphore, #tpu.memory_space<semaphore_mem>>
        %dma_start3A = tpu.memref_slice %arg3[%add3A_40] : memref<163840xi32, #tpu.memory_space<hbm>> -> memref<1024xi32, #tpu.memory_space<hbm>>
        %dma_start3A_48 = tpu.memref_slice %arg3[%add3A_40] : memref<163840xi32, #tpu.memory_space<hbm>> -> memref<1024xi32, #tpu.memory_space<hbm>>
        tpu.enqueue_dma source(%dma_start3A_48 : memref<1024xi32, #tpu.memory_space<hbm>>) target(%arg9 : memref<1024xi32, #tpu.memory_space<vmem>>) target_semaphore(%run_scoped3A : memref<!tpu.dma_semaphore, #tpu.memory_space<semaphore_mem>>)
        %dma_wait3A = tpu.memref_slice %arg3[%add3A_40] : memref<163840xi32, #tpu.memory_space<hbm>> -> memref<1024xi32, #tpu.memory_space<hbm>>
        %dma_wait3A_49 = tpu.memref_slice %arg3[%add3A_40] : memref<163840xi32, #tpu.memory_space<hbm>> -> memref<1024xi32, #tpu.memory_space<hbm>>
        tpu.wait_dma2 semaphore(%run_scoped3A : memref<!tpu.dma_semaphore, #tpu.memory_space<semaphore_mem>>) src(%dma_wait3A_49 : memref<1024xi32, #tpu.memory_space<hbm>>) dst(%arg9 : memref<1024xi32, #tpu.memory_space<vmem>>)
        tpu.yield
      }) : () -> ()
      "tpu.region"() ({
        %run_scoped3A = tpu.sem_alloc : memref<!tpu.dma_semaphore, #tpu.memory_space<semaphore_mem>>
        %dma_start3A = tpu.memref_slice %arg4[%add3A_40] : memref<163840xi32, #tpu.memory_space<hbm>> -> memref<1024xi32, #tpu.memory_space<hbm>>
        %dma_start3A_48 = tpu.memref_slice %arg4[%add3A_40] : memref<163840xi32, #tpu.memory_space<hbm>> -> memref<1024xi32, #tpu.memory_space<hbm>>
        tpu.enqueue_dma source(%dma_start3A_48 : memref<1024xi32, #tpu.memory_space<hbm>>) target(%arg10 : memref<1024xi32, #tpu.memory_space<vmem>>) target_semaphore(%run_scoped3A : memref<!tpu.dma_semaphore, #tpu.memory_space<semaphore_mem>>)
        %dma_wait3A = tpu.memref_slice %arg4[%add3A_40] : memref<163840xi32, #tpu.memory_space<hbm>> -> memref<1024xi32, #tpu.memory_space<hbm>>
        %dma_wait3A_49 = tpu.memref_slice %arg4[%add3A_40] : memref<163840xi32, #tpu.memory_space<hbm>> -> memref<1024xi32, #tpu.memory_space<hbm>>
        tpu.wait_dma2 semaphore(%run_scoped3A : memref<!tpu.dma_semaphore, #tpu.memory_space<semaphore_mem>>) src(%dma_wait3A_49 : memref<1024xi32, #tpu.memory_space<hbm>>) dst(%arg10 : memref<1024xi32, #tpu.memory_space<vmem>>)
        tpu.yield
      }) : () -> ()
      %scan3A_41 = arith.constant 0 : i32
      %scan3A_42 = arith.constant 0 : i32
      %scan3A_43 = arith.constant 8 : i32
      %scan3A_44 = arith.addi %scan3A_42, %scan3A_43 : i32
      %scan3A_45 = arith.constant 1 : i32
      %scan3A_46 = scf.for %scan3A_48 = %scan3A_42 to %scan3A_44 step %scan3A_45 iter_args(%scan3A_49 = %scan3A_41) -> (i32)  : i32 {
        %mul3A_50 = arith.constant 128 : i32
        %mul3A_51 = arith.muli %scan3A_48, %mul3A_50 : i32
        %scan3A_52 = arith.constant 0 : i32
        %scan3A_53 = arith.constant 0 : i32
        %scan3A_54 = arith.constant 8 : i32
        %scan3A_55 = arith.addi %scan3A_53, %scan3A_54 : i32
        %scan3A_56 = arith.constant 1 : i32
        %scan3A_57 = scf.for %scan3A_66 = %scan3A_53 to %scan3A_55 step %scan3A_56 iter_args(%scan3A_67 = %scan3A_52) -> (i32)  : i32 {
          %mul3A_68 = arith.constant 16 : i32
          %mul3A_69 = arith.muli %scan3A_66, %mul3A_68 : i32
          %add3A_70 = arith.addi %mul3A_51, %mul3A_69 : i32
          %get3A = arith.index_cast %add3A_70 : i32 to index
          %get3A_71 = tpu.vector_load %arg10[%get3A] {strides = array<i32>} : memref<1024xi32, #tpu.memory_space<vmem>>, vector<16xi32>,
          %get3A_72 = vector.shape_cast %get3A_71 : vector<16xi32> to vector<16xi32>
          %mul3A_73 = arith.constant 16 : i32
          %mul3A_74 = arith.muli %scan3A_66, %mul3A_73 : i32
          %swap3A = arith.index_cast %mul3A_74 : i32 to index
          %swap3A_75 = tpu.vector_load %arg11[%swap3A] {strides = array<i32>} : memref<128xi32, #tpu.memory_space<vmem>>, vector<16xi32>,
          %swap3A_76 = vector.shape_cast %swap3A_75 : vector<16xi32> to vector<16xi32>
          %swap3A_77 = vector.shape_cast %get3A_72 : vector<16xi32> to vector<16xi32>
          tpu.vector_store %arg11[%swap3A], %swap3A_77 {strides = array<i32>} : memref<128xi32, #tpu.memory_space<vmem>>, vector<16xi32>,
          %scan3A_78 = arith.constant 0 : i32
          scf.yield %scan3A_78 : i32
        }
        %scan3A_58 = arith.constant 8 : i32
        %dma_start3A = tpu.memref_slice %arg9[%mul3A_51] : memref<1024xi32, #tpu.memory_space<vmem>> -> memref<128xi32, #tpu.memory_space<vmem>>
        %dma_start3A_59 = arith.constant 0 : i32
        %dma_start3A_60 = arith.constant 0 : i32
        %dma_start3A_61 = tpu.memref_slice %arg2[%dma_start3A_59, %dma_start3A_60] : memref<10000x256xf32, #tpu.memory_space<hbm>> -> memref<10000x256xf32, #tpu.memory_space<hbm>>
        tpu.enqueue_indirect_dma source(%dma_start3A_61 : memref<10000x256xf32, #tpu.memory_space<hbm>>) target(%arg12 : memref<128x256xf32, #tpu.memory_space<vmem>>) offsets(%dma_start3A : memref<128xi32, #tpu.memory_space<vmem>>) semaphore(%arg15 : memref<!tpu.dma_semaphore, #tpu.memory_space<semaphore_mem>>)
        %dma_wait3A = tpu.memref_slice %arg9[%mul3A_51] : memref<1024xi32, #tpu.memory_space<vmem>> -> memref<128xi32, #tpu.memory_space<vmem>>
        %dma_wait3A_62 = arith.constant 0 : i32
        %dma_wait3A_63 = arith.constant 0 : i32
        %dma_wait3A_64 = tpu.memref_slice %arg2[%dma_wait3A_62, %dma_wait3A_63] : memref<10000x256xf32, #tpu.memory_space<hbm>> -> memref<10000x256xf32, #tpu.memory_space<hbm>>
        tpu.wait_indirect_dma semaphore(%arg15 : memref<!tpu.dma_semaphore, #tpu.memory_space<semaphore_mem>>) src(%dma_wait3A_64 : memref<10000x256xf32, #tpu.memory_space<hbm>>) dst(%arg12 : memref<128x256xf32, #tpu.memory_space<vmem>>)
        "tpu.region"() ({
          %run_scoped3A = tpu.sem_alloc : memref<!tpu.dma_semaphore, #tpu.memory_space<semaphore_mem>>
          %dma_start3A_66 = arith.constant 0 : i32
          %dma_start3A_67 = arith.constant 0 : i32
          %dma_start3A_68 = tpu.memref_slice %arg5[%dma_start3A_66, %dma_start3A_67] : memref<10032x256xf32, #tpu.memory_space<hbm>> -> memref<10032x256xf32, #tpu.memory_space<hbm>>
          tpu.enqueue_indirect_dma source(%arg12 : memref<128x256xf32, #tpu.memory_space<vmem>>) target(%dma_start3A_68 : memref<10032x256xf32, #tpu.memory_space<hbm>>) offsets(%arg11 : memref<128xi32, #tpu.memory_space<vmem>>) semaphore(%run_scoped3A : memref<!tpu.dma_semaphore, #tpu.memory_space<semaphore_mem>>) {add = true}
          %dma_wait3A_69 = arith.constant 0 : i32
          %dma_wait3A_70 = arith.constant 0 : i32
          %dma_wait3A_71 = tpu.memref_slice %arg5[%dma_wait3A_69, %dma_wait3A_70] : memref<10032x256xf32, #tpu.memory_space<hbm>> -> memref<10032x256xf32, #tpu.memory_space<hbm>>
          tpu.wait_indirect_dma semaphore(%run_scoped3A : memref<!tpu.dma_semaphore, #tpu.memory_space<semaphore_mem>>) src(%arg12 : memref<128x256xf32, #tpu.memory_space<vmem>>) dst(%dma_wait3A_71 : memref<10032x256xf32, #tpu.memory_space<hbm>>)
          tpu.yield
        }) : () -> ()
        "tpu.region"() ({
          %run_scoped3A = tpu.sem_alloc : memref<!tpu.dma_semaphore, #tpu.memory_space<semaphore_mem>>
          %dma_start3A_66 = arith.constant 0 : i32
          %dma_start3A_67 = tpu.memref_slice %arg8[%dma_start3A_66] : memref<10240xf32, #tpu.memory_space<vmem_shared>> -> memref<10240xf32, #tpu.memory_space<vmem_shared>>
          tpu.enqueue_indirect_dma source(%arg13 : memref<128xf32, #tpu.memory_space<vmem>>) target(%dma_start3A_67 : memref<10240xf32, #tpu.memory_space<vmem_shared>>) offsets(%arg11 : memref<128xi32, #tpu.memory_space<vmem>>) semaphore(%run_scoped3A : memref<!tpu.dma_semaphore, #tpu.memory_space<semaphore_mem>>) {add = true}
          %dma_wait3A_68 = arith.constant 0 : i32
          %dma_wait3A_69 = tpu.memref_slice %arg8[%dma_wait3A_68] : memref<10240xf32, #tpu.memory_space<vmem_shared>> -> memref<10240xf32, #tpu.memory_space<vmem_shared>>
          tpu.wait_indirect_dma semaphore(%run_scoped3A : memref<!tpu.dma_semaphore, #tpu.memory_space<semaphore_mem>>) src(%arg13 : memref<128xf32, #tpu.memory_space<vmem>>) dst(%dma_wait3A_69 : memref<10240xf32, #tpu.memory_space<vmem_shared>>)
          tpu.yield
        }) : () -> ()
        %scan3A_65 = arith.constant 0 : i32
        scf.yield %scan3A_65 : i32
      }
      %scan3A_47 = arith.constant 8 : i32
      scf.yield %scan3A_46 : i32
    }
    %scan3A_25 = arith.constant 5 : i32
    %barrier3A_26 = arith.constant 0 : index
    tpu.barrier barrier_id(%barrier3A_26)
    %mul3A_27 = arith.constant 640 : i32
    %mul3A_28 = arith.muli %arg1, %mul3A_27 : i32
    "tpu.region"() ({
      %run_scoped3A = tpu.sem_alloc : memref<!tpu.dma_semaphore, #tpu.memory_space<semaphore_mem>>
      %dma_start3A = tpu.memref_slice %arg8[%mul3A_28] : memref<10240xf32, #tpu.memory_space<vmem_shared>> -> memref<640xf32, #tpu.memory_space<vmem_shared>>
      %dma_start3A_34 = tpu.memref_slice %arg8[%mul3A_28] : memref<10240xf32, #tpu.memory_space<vmem_shared>> -> memref<640xf32, #tpu.memory_space<vmem_shared>>
      tpu.enqueue_dma source(%dma_start3A_34 : memref<640xf32, #tpu.memory_space<vmem_shared>>) target(%arg14 : memref<640xf32, #tpu.memory_space<vmem>>) target_semaphore(%run_scoped3A : memref<!tpu.dma_semaphore, #tpu.memory_space<semaphore_mem>>)
      %dma_wait3A = tpu.memref_slice %arg8[%mul3A_28] : memref<10240xf32, #tpu.memory_space<vmem_shared>> -> memref<640xf32, #tpu.memory_space<vmem_shared>>
      %dma_wait3A_35 = tpu.memref_slice %arg8[%mul3A_28] : memref<10240xf32, #tpu.memory_space<vmem_shared>> -> memref<640xf32, #tpu.memory_space<vmem_shared>>
      tpu.wait_dma2 semaphore(%run_scoped3A : memref<!tpu.dma_semaphore, #tpu.memory_space<semaphore_mem>>) src(%dma_wait3A_35 : memref<640xf32, #tpu.memory_space<vmem_shared>>) dst(%arg14 : memref<640xf32, #tpu.memory_space<vmem>>)
      tpu.yield
    }) : () -> ()
    %mul3A_29 = arith.constant 10240 : i32
    %mul3A_30 = arith.muli %arg0, %mul3A_29 : i32
    %mul3A_31 = arith.constant 640 : i32
    %mul3A_32 = arith.muli %arg1, %mul3A_31 : i32
    %add3A_33 = arith.addi %mul3A_30, %mul3A_32 : i32
    "tpu.region"() ({
      %run_scoped3A = tpu.sem_alloc : memref<!tpu.dma_semaphore, #tpu.memory_space<semaphore_mem>>
      %dma_start3A = tpu.memref_slice %arg6[%add3A_33] : memref<20480xf32, #tpu.memory_space<hbm>> -> memref<640xf32, #tpu.memory_space<hbm>>
      %dma_start3A_34 = tpu.memref_slice %arg6[%add3A_33] : memref<20480xf32, #tpu.memory_space<hbm>> -> memref<640xf32, #tpu.memory_space<hbm>>
      tpu.enqueue_dma source(%arg14 : memref<640xf32, #tpu.memory_space<vmem>>) target(%dma_start3A_34 : memref<640xf32, #tpu.memory_space<hbm>>) target_semaphore(%run_scoped3A : memref<!tpu.dma_semaphore, #tpu.memory_space<semaphore_mem>>)
      %dma_wait3A = tpu.memref_slice %arg6[%add3A_33] : memref<20480xf32, #tpu.memory_space<hbm>> -> memref<640xf32, #tpu.memory_space<hbm>>
      %dma_wait3A_35 = tpu.memref_slice %arg6[%add3A_33] : memref<20480xf32, #tpu.memory_space<hbm>> -> memref<640xf32, #tpu.memory_space<hbm>>
      tpu.wait_dma2 semaphore(%run_scoped3A : memref<!tpu.dma_semaphore, #tpu.memory_space<semaphore_mem>>) src(%arg14 : memref<640xf32, #tpu.memory_space<vmem>>) dst(%dma_wait3A_35 : memref<640xf32, #tpu.memory_space<hbm>>)
      tpu.yield
    }) : () -> ()
    return
  }
}

module attributes {stable_mosaic.version = 14 : i64} {
  func.func @_tc_tail_body(%arg0: i32, %arg1: memref<1000x256xf32, #tpu.memory_space<vmem>>, %arg2: memref<1000x1xf32, #tpu.memory_space<vmem>>, %arg3: memref<1000x256xf32, #tpu.memory_space<vmem>>, %arg4: memref<256x256xf32, #tpu.memory_space<vmem>>, %arg5: memref<256x256xf32, #tpu.memory_space<vmem>>, %arg6: memref<1x256xf32, #tpu.memory_space<vmem>>, %arg7: memref<1x256xf32, #tpu.memory_space<vmem>>, %arg8: memref<1x256xf32, #tpu.memory_space<vmem>>, %arg9: memref<1000x256xf32, #tpu.memory_space<vmem>>) attributes {dimension_semantics = [#tpu.dimension_semantics<arbitrary>], iteration_bounds = array<i64: 10>, scalar_prefetch = 0 : i64, scratch_operands = 0 : i64, tpu.core_type = #tpu.core_type<tc>, window_params = [{transform_indices = @transform_0, window_bounds = array<i64: 1000, 256>}, {transform_indices = @transform_1, window_bounds = array<i64: 1000, 1>}, {transform_indices = @transform_2, window_bounds = array<i64: 1000, 256>}, {pipeline_mode = #tpu.pipeline_mode<synchronous>, transform_indices = @transform_3, window_bounds = array<i64: 256, 256>}, {pipeline_mode = #tpu.pipeline_mode<synchronous>, transform_indices = @transform_4, window_bounds = array<i64: 256, 256>}, {pipeline_mode = #tpu.pipeline_mode<synchronous>, transform_indices = @transform_5, window_bounds = array<i64: 1, 256>}, {pipeline_mode = #tpu.pipeline_mode<synchronous>, transform_indices = @transform_6, window_bounds = array<i64: 1, 256>}, {pipeline_mode = #tpu.pipeline_mode<synchronous>, transform_indices = @transform_7, window_bounds = array<i64: 1, 256>}, {transform_indices = @transform_8, window_bounds = array<i64: 1000, 256>}]} {
    %get3A = arith.constant 0 : index
    %get3A_0 = arith.constant 0 : index
    %get3A_1 = vector.load %arg2[%get3A, %get3A_0] : memref<1000x1xf32, #tpu.memory_space<vmem>>, vector<1000x1xf32>
    %max3A = arith.constant 1.000000e+00 : f32
    %max3A_2 = vector.broadcast %max3A : f32 to vector<1000x1xf32>
    %max3A_3 = arith.maximumf %get3A_1, %max3A_2 : vector<1000x1xf32>
    %get3A_4 = arith.constant 0 : index
    %get3A_5 = arith.constant 0 : index
    %get3A_6 = vector.load %arg1[%get3A_4, %get3A_5] : memref<1000x256xf32, #tpu.memory_space<vmem>>, vector<1000x256xf32>
    %div3A = vector.broadcast %max3A_3 : vector<1000x1xf32> to vector<1000x256xf32>
    %div3A_7 = arith.divf %get3A_6, %div3A : vector<1000x256xf32>
    %get3A_8 = arith.constant 0 : index
    %get3A_9 = arith.constant 0 : index
    %get3A_10 = vector.load %arg4[%get3A_8, %get3A_9] : memref<256x256xf32, #tpu.memory_space<vmem>>, vector<256x256xf32>
    %dot_general3A = arith.constant dense<0.000000e+00> : vector<1000x256xf32>
    %dot_general3A_11 = tpu.matmul %div3A_7, %get3A_10, %dot_general3A {dimension_numbers = #tpu.dot_dimension_numbers<[1], [0], [0], [1], [0, 0, 1, 1], [], []>, transpose_lhs_hint = false} : vector<1000x256xf32>, vector<256x256xf32>, vector<1000x256xf32> -> vector<1000x256xf32>
    %get3A_12 = arith.constant 0 : index
    %get3A_13 = arith.constant 0 : index
    %get3A_14 = vector.load %arg3[%get3A_12, %get3A_13] : memref<1000x256xf32, #tpu.memory_space<vmem>>, vector<1000x256xf32>
    %get3A_15 = arith.constant 0 : index
    %get3A_16 = arith.constant 0 : index
    %get3A_17 = vector.load %arg5[%get3A_15, %get3A_16] : memref<256x256xf32, #tpu.memory_space<vmem>>, vector<256x256xf32>
    %dot_general3A_18 = arith.constant dense<0.000000e+00> : vector<1000x256xf32>
    %dot_general3A_19 = tpu.matmul %get3A_14, %get3A_17, %dot_general3A_18 {dimension_numbers = #tpu.dot_dimension_numbers<[1], [0], [0], [1], [0, 0, 1, 1], [], []>, transpose_lhs_hint = false} : vector<1000x256xf32>, vector<256x256xf32>, vector<1000x256xf32> -> vector<1000x256xf32>
    %add3A = arith.addf %dot_general3A_11, %dot_general3A_19 : vector<1000x256xf32>
    %get3A_20 = arith.constant 0 : index
    %get3A_21 = arith.constant 0 : index
    %get3A_22 = vector.load %arg6[%get3A_20, %get3A_21] : memref<1x256xf32, #tpu.memory_space<vmem>>, vector<1x256xf32>
    %add3A_23 = vector.broadcast %get3A_22 : vector<1x256xf32> to vector<1000x256xf32>
    %add3A_24 = arith.addf %add3A, %add3A_23 : vector<1000x256xf32>
    %reduce_sum3A = arith.constant dense<0.000000e+00> : vector<1000xf32>
    %reduce_sum3A_25 = vector.multi_reduction <add>, %add3A_24, %reduce_sum3A [1] : vector<1000x256xf32> to vector<1000xf32>
    %broadcast_in_dim3A = vector.shape_cast %reduce_sum3A_25 : vector<1000xf32> to vector<1000x1xf32>
    %div3A_26 = arith.constant 2.560000e+02 : f32
    %div3A_27 = vector.broadcast %div3A_26 : f32 to vector<1000x1xf32>
    %div3A_28 = arith.divf %broadcast_in_dim3A, %div3A_27 : vector<1000x1xf32>
    %sub3A = vector.broadcast %div3A_28 : vector<1000x1xf32> to vector<1000x256xf32>
    %sub3A_29 = arith.subf %add3A_24, %sub3A : vector<1000x256xf32>
    %mul3A = arith.mulf %sub3A_29, %sub3A_29 : vector<1000x256xf32>
    %reduce_sum3A_30 = arith.constant dense<0.000000e+00> : vector<1000xf32>
    %reduce_sum3A_31 = vector.multi_reduction <add>, %mul3A, %reduce_sum3A_30 [1] : vector<1000x256xf32> to vector<1000xf32>
    %broadcast_in_dim3A_32 = vector.shape_cast %reduce_sum3A_31 : vector<1000xf32> to vector<1000x1xf32>
    %div3A_33 = arith.constant 2.560000e+02 : f32
    %div3A_34 = vector.broadcast %div3A_33 : f32 to vector<1000x1xf32>
    %div3A_35 = arith.divf %broadcast_in_dim3A_32, %div3A_34 : vector<1000x1xf32>
    %add3A_36 = arith.constant 9.99999974E-6 : f32
    %add3A_37 = vector.broadcast %add3A_36 : f32 to vector<1000x1xf32>
    %add3A_38 = arith.addf %div3A_35, %add3A_37 : vector<1000x1xf32>
    %rsqrt3A = math.rsqrt %add3A_38 : vector<1000x1xf32>
    %mul3A_39 = vector.broadcast %rsqrt3A : vector<1000x1xf32> to vector<1000x256xf32>
    %mul3A_40 = arith.mulf %sub3A_29, %mul3A_39 : vector<1000x256xf32>
    %get3A_41 = arith.constant 0 : index
    %get3A_42 = arith.constant 0 : index
    %get3A_43 = vector.load %arg7[%get3A_41, %get3A_42] : memref<1x256xf32, #tpu.memory_space<vmem>>, vector<1x256xf32>
    %mul3A_44 = vector.broadcast %get3A_43 : vector<1x256xf32> to vector<1000x256xf32>
    %mul3A_45 = arith.mulf %mul3A_40, %mul3A_44 : vector<1000x256xf32>
    %get3A_46 = arith.constant 0 : index
    %get3A_47 = arith.constant 0 : index
    %get3A_48 = vector.load %arg8[%get3A_46, %get3A_47] : memref<1x256xf32, #tpu.memory_space<vmem>>, vector<1x256xf32>
    %add3A_49 = vector.broadcast %get3A_48 : vector<1x256xf32> to vector<1000x256xf32>
    %add3A_50 = arith.addf %mul3A_45, %add3A_49 : vector<1000x256xf32>
    %max3A_51 = arith.constant 0.000000e+00 : f32
    %max3A_52 = vector.broadcast %max3A_51 : f32 to vector<1000x256xf32>
    %max3A_53 = arith.maximumf %add3A_50, %max3A_52 : vector<1000x256xf32>
    %get3A_54 = arith.constant 0 : index
    %get3A_55 = arith.constant 0 : index
    %get3A_56 = vector.load %arg3[%get3A_54, %get3A_55] : memref<1000x256xf32, #tpu.memory_space<vmem>>, vector<1000x256xf32>
    %add3A_57 = arith.addf %max3A_53, %get3A_56 : vector<1000x256xf32>
    %swap3A = arith.constant 0 : index
    %swap3A_58 = arith.constant 0 : index
    %swap3A_59 = vector.load %arg9[%swap3A, %swap3A_58] : memref<1000x256xf32, #tpu.memory_space<vmem>>, vector<1000x256xf32>
    tpu.vector_store %arg9[%swap3A, %swap3A_58], %add3A_57 {strides = array<i32>} : memref<1000x256xf32, #tpu.memory_space<vmem>>, vector<1000x256xf32>,
    return
  }
  func.func @transform_0(%arg0: i32) -> (i32, i32) {
    %c0_i32 = arith.constant 0 : i32
    %c0_i32_0 = arith.constant 0 : i32
    return %arg0, %c0_i32 : i32, i32
  }
  func.func @transform_1(%arg0: i32) -> (i32, i32) {
    %c0_i32 = arith.constant 0 : i32
    %c0_i32_0 = arith.constant 0 : i32
    return %arg0, %c0_i32 : i32, i32
  }
  func.func @transform_2(%arg0: i32) -> (i32, i32) {
    %c0_i32 = arith.constant 0 : i32
    %c0_i32_0 = arith.constant 0 : i32
    return %arg0, %c0_i32 : i32, i32
  }
  func.func @transform_3(%arg0: i32) -> (i32, i32) {
    %c0_i32 = arith.constant 0 : i32
    %c0_i32_0 = arith.constant 0 : i32
    %c0_i32_1 = arith.constant 0 : i32
    return %c0_i32, %c0_i32_0 : i32, i32
  }
  func.func @transform_4(%arg0: i32) -> (i32, i32) {
    %c0_i32 = arith.constant 0 : i32
    %c0_i32_0 = arith.constant 0 : i32
    %c0_i32_1 = arith.constant 0 : i32
    return %c0_i32, %c0_i32_0 : i32, i32
  }
  func.func @transform_5(%arg0: i32) -> (i32, i32) {
    %c0_i32 = arith.constant 0 : i32
    %c0_i32_0 = arith.constant 0 : i32
    %c0_i32_1 = arith.constant 0 : i32
    return %c0_i32, %c0_i32_0 : i32, i32
  }
  func.func @transform_6(%arg0: i32) -> (i32, i32) {
    %c0_i32 = arith.constant 0 : i32
    %c0_i32_0 = arith.constant 0 : i32
    %c0_i32_1 = arith.constant 0 : i32
    return %c0_i32, %c0_i32_0 : i32, i32
  }
  func.func @transform_7(%arg0: i32) -> (i32, i32) {
    %c0_i32 = arith.constant 0 : i32
    %c0_i32_0 = arith.constant 0 : i32
    %c0_i32_1 = arith.constant 0 : i32
    return %c0_i32, %c0_i32_0 : i32, i32
  }
  func.func @transform_8(%arg0: i32) -> (i32, i32) {
    %c0_i32 = arith.constant 0 : i32
    %c0_i32_0 = arith.constant 0 : i32
    return %arg0, %c0_i32 : i32, i32
  }
}

</mosaic_0001>

<sc_bundles>
// kernel: kernel.4.cloned.1.call-start
scs
__scs_entry_jumppad:
0x0: {  	(pc) =	sbr.rel $0x88, $3  }
0x1: {  	(tag) =	ssettag $0x0;
	lr =	simm.s32 $0x1  }
0x2: {  	[smem:$0x3F9A] =	sst lr;
	_ =	strace $0xD0000000  }
0x3: {  	_ = 	snop  }
0x4: {  	_ = 	snop  }
0x5: {  	_ = 	snop  }
0x6: {  	_ = 	snop  }
0x7: {  	_ = 	snop  }
__scs_overlays_trampoline_lowered:
0x8: {  	[smem:$0x3FA9] =	sst s0  }
0x9: {  	[smem:$0x3FAA] =	sst s1  }
0xa: {  	[smem:$0x3FAB] =	sst s2  }
0xb: {  	[smem:$0x3FAC] =	sst s3  }
0xc: {  	[smem:$0x3FAD] =	sst s4  }
0xd: {  	[smem:$0x3FAE] =	sst s5  }
0xe: {  	[smem:$0x3FAF] =	sst s6  }
0xf: {  	[smem:$0x3FB0] =	sst s7  }
0x10: {  	[smem:$0x3FB1] =	sst s8  }
0x11: {  	[smem:$0x3FB2] =	sst s9;
	s0 =	simm.s32 @!p0 $0x0  }
0x12: {  	s1 =	sld [smem:$0x3F98];
	s0 =	simm.s32 @p0 $0x1  }
0x13: {  	[smem:$0x3FB3] =	sst s0;
	s0 =	simm.s32 @!p1 $0x0  }
0x14: {  	s2 =	sld [smem:$0x3F97];
	s0 =	simm.s32 @p1 $0x1  }
0x15: {  	[smem:$0x3FB4] =	sst s0;
	s0 =	simm.s32 @!p2 $0x0  }
0x16: {  	s3 =	sld [smem:$0x3FDB];
	s0 =	simm.s32 @p2 $0x1  }
0x17: {  	s4 =	simm.s32 $0x1BF5;
	[smem:$0x3FB6] =	sst s0  }
0x18: {  	s0 =	sld [smem:$0x3F99];
	_ =	swait.ge [sflag:s4], $0x0  }
0x19: {  	s7 =	sld [smem:$0x3F9A]  }
0x1a: {  	s8 =	sadd.s32 $0xFFFFE003, lr  }
0x1b: {  	s9 =	sadd.s32 $0xFFFFFEF7, lr;
	s5 =	simm.s32 $0xFFFFFFFF;
	p2 =	slt.u32 s8, $0xFFFFF086  }
0x1c: {  	p1 =	slt.u32 s9, $0xF7A;
	s5 =	simm.s32 @!p2 $0x0  }
0x1d: {  	s5 =	simm.s32 @p1 $0x1;
	p0 =	seq.s32 s7, s2  }
0x1e: {  	s7 =	smul.u32 @!p0 $0xF7A, s2;
	p2 =	seq.s32 @!p0 s5, $0x0  }
0x1f: {  	s9 =	smul.u32 $0xF7A, s1;
	s8 =	simm.s32 @!p0 $0x1BF5;
	p2 =	por !p2, p0  }
0x20: {  	[sflag:s8] =	ssyncset.s32 @!p0 $0xFFFFF086;
	s6 =	sadd.s32 @!p0 s3, s7;
	s7 =	simm.s32 @!p0 $0x108  }
0x21: {  	s3 =	sadd.s32 s3, s9;
	s6 =	sadd.s32 @!p0 $0x88, s6;
	s7 =	simm.s32 @p2 $0x1082  }
0x22: {  	[simem:s7], [sflag:s8] =	dma.local @!p0 [hbm:s6], $0xF7A  }
0x23: {  	s9 =	sor.u32 $0xD0000000, s2;
	s6 =	simm.s32 $0x108;
	_ =	swait.ge @!p0 [sflag:s8], $0x0  }
0x24: {  	s3 =	sadd.s32 $0x88, s3;
	s6 =	simm.s32 @!p1 $0x1082;
	[sflag:s4] =	ssyncset.s32 $0xFFFFF086  }
0x25: {  	[simem:s6], [sflag:s4] =	dma.local [hbm:s3], $0xF7A  }
0x26: {  	[smem:$0x3F9A] =	sst s1;
	(tag) =	ssettag s2;
	_ =	strace s9  }
0x27: {  	s1 =	sld [smem:$0x3FAA]  }
0x28: {  	s2 =	sld [smem:$0x3FAB]  }
0x29: {  	s4 =	sld [smem:$0x3FAD]  }
0x2a: {  	p0 =	seq.s32 s5, $0x0;
	s5 =	sld [smem:$0x3FAE]  }
0x2b: {  	s6 =	sld [smem:$0x3FAF]  }
0x2c: {  	s7 =	sld [smem:$0x3FB0]  }
0x2d: {  	s3 =	simm.s32 $0x108;
	s8 =	sld [smem:$0x3FB1]  }
0x2e: {  	s3 =	simm.s32 @!p0 $0x1082;
	s9 =	sld [smem:$0x3FB2]  }
0x2f: {  	lr =	sadd.s32 s0, s3;
	s0 =	sld [smem:$0x3FA9]  }
0x30: {  	s3 =	sld [smem:$0x3FAC]  }
0x31: {  	[smem:$0x3FB5] =	sst s10  }
0x32: {  	s10 =	sld [smem:$0x3FB3];
	_ =	sdelay $0x3  }
0x33: {  	p0 =	seq.s32 s10, $0x1;
	s10 =	sld [smem:$0x3FB5];
	_ =	sdelay $0x3  }
0x34: {  	[smem:$0x3FB5] =	sst s10  }
0x35: {  	s10 =	sld [smem:$0x3FB4];
	_ =	sdelay $0x3  }
0x36: {  	p1 =	seq.s32 s10, $0x1;
	s10 =	sld [smem:$0x3FB5];
	_ =	sdelay $0x3  }
0x37: {  	[smem:$0x3FB5] =	sst s10  }
0x38: {  	s10 =	sld [smem:$0x3FB6]  }
0x39: {  	_ = 	snop;
	(pc) =	sbr.ind lr, $3  }
0x3a: {  	_ = 	snop  }
0x3b: {  	_ = 	snop  }
0x3c: {  	p2 =	seq.s32 s10, $0x1;
	s10 =	sld [smem:$0x3FB5]  }
0x3d: {  	_ =	shalt  }
0x3e: {  	_ =	shalt  }
0x3f: {  	_ =	shalt  }
0x40: {  	_ =	shalt  }
0x41: {  	_ =	shalt  }
0x42: {  	_ =	shalt  }
0x43: {  	_ =	shalt  }
0x44: {  	_ =	shalt  }
0x45: {  	_ =	shalt  }
0x46: {  	_ =	shalt  }
0x47: {  	_ =	shalt  }
0x48: {  	_ =	shalt  }
0x49: {  	_ =	shalt  }
0x4a: {  	_ =	shalt  }
0x4b: {  	_ =	shalt  }
0x4c: {  	_ =	shalt  }
0x4d: {  	_ =	shalt  }
0x4e: {  	_ =	shalt  }
0x4f: {  	_ =	shalt  }
0x50: {  	_ =	shalt  }
0x51: {  	_ =	shalt  }
0x52: {  	_ =	shalt  }
0x53: {  	_ =	shalt  }
0x54: {  	_ =	shalt  }
0x55: {  	_ =	shalt  }
0x56: {  	_ =	shalt  }
0x57: {  	_ =	shalt  }
0x58: {  	_ =	shalt  }
0x59: {  	_ =	shalt  }
0x5a: {  	_ =	shalt  }
0x5b: {  	_ =	shalt  }
0x5c: {  	_ =	shalt  }
0x5d: {  	_ =	shalt  }
0x5e: {  	_ =	shalt  }
0x5f: {  	_ =	shalt  }
0x60: {  	_ =	shalt  }
0x61: {  	_ =	shalt  }
0x62: {  	_ =	shalt  }
0x63: {  	_ =	shalt  }
0x64: {  	_ =	shalt  }
0x65: {  	_ =	shalt  }
0x66: {  	_ =	shalt  }
0x67: {  	_ =	shalt  }
0x68: {  	_ =	shalt  }
0x69: {  	_ =	shalt  }
0x6a: {  	_ =	shalt  }
0x6b: {  	_ =	shalt  }
0x6c: {  	_ =	shalt  }
0x6d: {  	_ =	shalt  }
0x6e: {  	_ =	shalt  }
0x6f: {  	_ =	shalt  }
0x70: {  	_ =	shalt  }
0x71: {  	_ =	shalt  }
0x72: {  	_ =	shalt  }
0x73: {  	_ =	shalt  }
0x74: {  	_ =	shalt  }
0x75: {  	_ =	shalt  }
0x76: {  	_ =	shalt  }
0x77: {  	_ =	shalt  }
0x78: {  	_ =	shalt  }
0x79: {  	_ =	shalt  }
0x7a: {  	_ =	shalt  }
0x7b: {  	_ =	shalt  }
0x7c: {  	_ =	shalt  }
0x7d: {  	_ =	shalt  }
0x7e: {  	_ =	shalt  }
0x7f: {  	_ =	shalt  }
0x80: {  	_ =	shalt  }
0x81: {  	_ =	shalt  }
0x82: {  	_ =	shalt  }
0x83: {  	_ =	shalt  }
0x84: {  	_ =	shalt  }
0x85: {  	_ =	shalt  }
0x86: {  	_ =	shalt  }
0x87: {  	_ =	shalt  }
.Lfunc_end0:
.L_simem_size_0:
called_computation_lowered:
.L_overlay_start_0:
0x88: {  	s2 =	sld [smem:$0x3FD9]  }
0x89: {  	s3 =	sld [smem:$0x3FFE];
	_ =	sdelay $0x1  }
0x8a: {  	s1 =	srdreg.scid  }
0x8b: {  	s0 =	sand.u32 $0x1, s1  }
0x8c: {  	s17 =	sshll.u32 s0, $0xA;
	s2 =	sadd.s32 s3, s2  }
0x8d: {  	s2 =	sadd.s32 s2, s17  }
0x8e: {  	[smem:$0x3FC1] =	sst s2  }
0x8f: {  	_ = 	snop  }
0x90: {  	s2 =	sld [smem:$0x3FC9]  }
0x91: {  	s18 =	sld [smem:$0x3FD0];
	(tm) =	ssettm $0x1  }
0x92: {  	s4 =	sld [smem:$0x3FFB];
	_ =	sdelay $0x3  }
0x93: {  	_ =	strace s4  }
0x94: {  	s4 =	sld [smem:$0x3FFC];
	_ =	sdelay $0x3  }
0x95: {  	_ =	strace s4  }
0x96: {  	s4 =	sld [smem:$0x3FFD];
	_ =	sdelay $0x3  }
0x97: {  	_ =	strace s4  }
0x98: {  	_ =	strace $0x8FFFFFFF  }
0x99: {  	s19 =	sld [smem:$0x3FDB];
	_ =	sdelay $0x1  }
0x9a: {  	s5 =	simm.s32 $_scs_section_size  }
0x9b: {  	s6 =	simm.s32 $_size__tile_overlayer_lowered;
	s7 =	simm.s32 $_tile_overlayer_lowered  }
0x9c: {  	s22 =	simm.s32 $0x1BFF;
	s21 =	sshll.u32 s7, $0x1;
	s4 =	sadd.s32 s5, s19  }
0x9d: {  	s8 =	simm.s32 $0x0;
	s20 =	sshll.u32 s6, $0x1;
	s6 =	sadd.s32 s21, s4  }
0x9e: {  	[timem:s8], [sflag:s22] =	dma.local [hbm:s6], s20  }
0x9f: {  	_ =	swait.ge [sflag:s22], s20  }
0xa0: {  	s5 =	ssub.s32 $0x0, s20;
	[sflag:s22] =	ssyncset.done $0x0  }
0xa1: {  	[sflag:s22] =	ssyncadd.s32 s5;
	_ =	sdelay $0x1  }
0xa2: {  	s23 =	simm.s32 $0x1B8B  }
0xa3: {  	_ =	swait.ge [sflag:s23], $0x1  }
0xa4: {  	[sflag:s23] =	ssyncset.done $0x0  }
0xa5: {  	s25 =	simm.s32 $0x1B8E;
	s24 =	sld [smem:$0x3FFE];
	[sflag:s23] =	ssyncadd.s32 $0xFFFFFFFF  }
0xa6: {  	s26 =	simm.s32 $execute0_lowered;
	[smem:$0x3FD2] =	sst s25  }
0xa7: {  	s6 =	sshll.u32 s26, $0x1;
	_ =	strace $0x80000046;
	[dreg:$0x1] =	wrdreg $0xFFFFFFFF  }
0xa8: {  	s28 =	simm.s32 $_size_execute0_lowered;
	s4 =	sadd.s32 s4, s6;
	[dreg:$0x0] =	wrdreg $0x0  }
0xa9: {  	s6 =	sshll.u32 s28, $0x1;
	[dreg:$0x2] =	wrdreg s4  }
0xaa: {  	[dreg:$0x3] =	wrdreg s6  }
0xab: {  	[dreg:$0x4] =	wrdreg $0xC0  }
0xac: {  	_ =	task [dreg:s8], $0x5FFFF  }
0xad: {  	[dreg:$0x1] =	wrdreg $0xFFFFFFFF  }
0xae: {  	[dreg:$0x0] =	wrdreg $0x60  }
0xaf: {  	[dreg:$0x2] =	wrdreg s2  }
0xb0: {  	[dreg:$0x3] =	wrdreg s18  }
0xb1: {  	[dreg:$0x4] =	wrdreg s24  }
0xb2: {  	[dreg:$0x5] =	wrdreg $0x0  }
0xb3: {  	[dreg:$0x6] =	wrdreg $0x9  }
0xb4: {  	_ =	task.clear_ibuf [dreg:s8], $0x7FFFF;
	_ =	strace $0x90000046  }
0xb5: {  	s29 =	simm.s32 $0x9;
	_ =	strace $0x80000048  }
0xb6: {  	_ =	swait.ge [sflag:s29], $0x1  }
0xb7: {  	[sflag:s29] =	ssyncadd.s32 $0xFFFFFFFF  }
0xb8: {  	_ =	strace $0x90000048  }
0xb9: {  	_ =	sfence  }
0xba: {  	s30 =	sld [smem:$0x0];
	_ =	sdelay $0x2  }
0xbb: {  	s31 =	sshll.u32 s1, $0xD;
	s1 =	sshrl.u32 s1, $0x2  }
0xbc: {  	s3 =	sand.u32 $0x4000, s31;
	s1 =	sadd.s32 s1, s30  }
0xbd: {  	s0 =	sor.u32 s3, s0;
	s1 =	sshll.u32 s1, $0x11  }
0xbe: {  	s0 =	sor.u32 s1, s0  }
0xbf: {  	s0 =	sadd.s32 $0x8F2B, s0  }
0xc0: {  	[sflag:s0] =	ssyncadd.remote.s32 $0x1  }
0xc1: {  	_ =	sfence.sel $0xFFFF  }
0xc2: {  	[dreg:$0x0] =	wrdreg $0xFFFFFFFF;
	(pc) =	sbr.abs _section_cstart, $3  }
0xc3: {  	[dreg:$0x1] =	wrdreg $0xFFFFFFFF  }
0xc4: {  	_ =	task.clear_ibuf [dreg:s8], $0x2FFFF;
	_ =	strace $0x9FFFFFFF  }
0xc5: {  	(tm) =	ssettm $0x7FFFFFFF  }
tec
execute0_lowered:
.L_overlay_start_1:
0x0: {  	(tag) =	ssettag $0x1  }
0x1: {  	s1 =	rddreg [dreg:$0x0]  }
0x2: {  	s0 =	rddreg [dreg:$0x2]  }
0x3: {  	s4 =	rddreg [dreg:$0x3];
	s2 =	srdreg.scid  }
0x4: {  	s10 =	stileid.u32;
	s5 =	simm.s32 $0x0;
	s13 =	simm.s32 $0x2  }
0x5: {  	s16 =	simm.s32 $0xB00;
	s17 =	simm.s32 $0x1300;
	s18 =	simm.s32 $0x1B00  }
0x6: {  	s19 =	simm.s32 $0x2300;
	s20 =	simm.s32 $0x2B00;
	s21 =	simm.s32 $0x3300  }
0x7: {  	s22 =	simm.s32 $0x3B00;
	s23 =	simm.s32 $0x4300;
	s24 =	simm.s32 $0x4B00  }
0x8: {  	s28 =	simm.s32 $0x6300;
	s29 =	simm.s32 $0x6B00;
	s30 =	simm.s32 $0x7300  }
0x9: {  	s31 =	simm.s32 $0x7B00;
	s11 =	simm.s32 $0xA80;
	s12 =	simm.s32 $0x8B00  }
0xa: {  	s2 =	sand.u32 $0x1, s2;
	s3 =	smul.u32 $0x280, s10;
	[smem:$0x7FF] =	sst s5  }
0xb: {  	s6 =	sadd.s32 $0xE00, s0;
	s7 =	sadd.s32 $0x5E00, s0;
	s10 =	sshll.u32 s10, $0x1  }
0xc: {  	s8 =	smul.u32 $0x2800, s2;
	_ =	strace $0x80000047;
	[dreg:$0x8] =	wrdreg s6  }
0xd: {  	s9 =	ssub.s32 $0x2, s2;
	s2 =	sor.u32 s2, s10;
	s10 =	simm.s32 $0x80  }
0xe: {  	s6 =	simm.s32 $0x0;
	s25 =	sshrl.u32 s9, $0x1;
	s8 =	sadd.s32 s3, s8  }
0xf: {  	s14 =	sadd.s32 s3, s4;
	s3 =	simm.s32 $0x1;
	s8 =	sshrl.u32 s8, $0x3  }
0x10: {  	[dreg:$0x5] =	wrdreg s14;
	s0 =	sadd.s32 s8, s0;
	s8 =	ssub.s32 s9, s25  }
0x11: {  	v0 =	vimm.f32 $1.000000000e+00;
	v4 =	vlaneseq.u32;
	s9 =	smul.u32 $0x1400, s2;
	s25 =	simm.s32 $0x5300;
	s0 =	sadd.s32 $0x54400, s0  }
0x12: {  	v1 =	vimm.f32 $0.0e+00;
	vm0 =	vmmov $0xffff;
	v3 =	vshrl.u32 v4, $0x3;
	s26 =	smax.u32 s8, $0x1;
	s8 =	simm.s32 $0x8B80;
	[dreg:$0x6] =	wrdreg s0  }
0x13: {  	v2 =	vand.u32 $0x7, v4;
	v4 =	vor.u32 $0x8, v4;
	v3 =	vmul.u32 $0x8, v3;
	[dreg:$0x7] =	wrdreg s26;
	s26 =	simm.s32 $0x5B00;
	s0 =	simm.s32 $0x8300  }
.LBB2_1:
0x14: {  	[tilespmem:$0x8B00] =	vst v0  }
0x15: {  	[tilespmem:$0x8B10] =	vst v0  }
0x16: {  	[tilespmem:$0x8B20] =	vst v0  }
0x17: {  	[tilespmem:$0x8B30] =	vst v0  }
0x18: {  	[tilespmem:$0x8B40] =	vst v0  }
0x19: {  	[tilespmem:$0x8B50] =	vst v0  }
0x1a: {  	[tilespmem:$0x8B60] =	vst v0  }
0x1b: {  	[tilespmem:$0x8B70] =	vst v0  }
0x1c: {  	[tilespmem:$0x8B80] =	vst v1  }
0x1d: {  	[tilespmem:$0x8B90] =	vst v1  }
0x1e: {  	[tilespmem:$0x8BA0] =	vst v1  }
0x1f: {  	[tilespmem:$0x8BB0] =	vst v1  }
0x20: {  	[tilespmem:$0x8BC0] =	vst v1  }
0x21: {  	[tilespmem:$0x8BD0] =	vst v1  }
0x22: {  	[tilespmem:$0x8BE0] =	vst v1  }
0x23: {  	[tilespmem:$0x8BF0] =	vst v1  }
0x24: {  	[tilespmem:$0x8C00] =	vst v1  }
0x25: {  	[tilespmem:$0x8C10] =	vst v1  }
0x26: {  	[tilespmem:$0x8C20] =	vst v1  }
0x27: {  	[tilespmem:$0x8C30] =	vst v1  }
0x28: {  	[tilespmem:$0x8C40] =	vst v1  }
0x29: {  	[tilespmem:$0x8C50] =	vst v1  }
0x2a: {  	[tilespmem:$0x8C60] =	vst v1  }
0x2b: {  	[tilespmem:$0x8C70] =	vst v1  }
0x2c: {  	[tilespmem:$0x8C80] =	vst v1  }
0x2d: {  	[tilespmem:$0x8C90] =	vst v1  }
0x2e: {  	[tilespmem:$0x8CA0] =	vst v1  }
0x2f: {  	[tilespmem:$0x8CB0] =	vst v1  }
0x30: {  	[tilespmem:$0x8CC0] =	vst v1  }
0x31: {  	[tilespmem:$0x8CD0] =	vst v1  }
0x32: {  	[tilespmem:$0x8CE0] =	vst v1  }
0x33: {  	[tilespmem:$0x8CF0] =	vst v1  }
0x34: {  	[tilespmem:$0x8D00] =	vst v1  }
0x35: {  	[tilespmem:$0x8D10] =	vst v1  }
0x36: {  	[tilespmem:$0x8D20] =	vst v1  }
0x37: {  	[tilespmem:$0x8D30] =	vst v1  }
0x38: {  	[tilespmem:$0x8D40] =	vst v1  }
0x39: {  	[tilespmem:$0x8D50] =	vst v1  }
0x3a: {  	[tilespmem:$0x8D60] =	vst v1  }
0x3b: {  	[tilespmem:$0x8D70] =	vst v1  }
0x3c: {  	[tilespmem:$0x8D80] =	vst v1  }
0x3d: {  	[tilespmem:$0x8D90] =	vst v1  }
0x3e: {  	[tilespmem:$0x8DA0] =	vst v1  }
0x3f: {  	[tilespmem:$0x8DB0] =	vst v1  }
0x40: {  	[tilespmem:$0x8DC0] =	vst v1  }
0x41: {  	[tilespmem:$0x8DD0] =	vst v1  }
0x42: {  	[tilespmem:$0x8DE0] =	vst v1  }
0x43: {  	[dreg:$0x9] =	wrdreg s6;
	[tilespmem:$0x8DF0] =	vst v1  }
0x44: {  	[spmem:s14] =	stream.linear.scatter [tilespmem:s8], [sflag:$0x2], $0x280, $0x38;
	[tilespmem:$0x8E00] =	vst v63  }
0x45: {  	_ =	swait.ge [sflag:s13], $0x280  }
0x46: {  	[sflag:s13] =	ssyncset.done $0x0  }
0x47: {  	[sflag:s13] =	ssyncadd.s32 $0xFFFFFD80  }
0x48: {  	s8 =	simm.s32 $0x0;
	[bflag:$0x0] =	sbarrier.arrive $0xFFFF  }
.LBB2_2:
0x49: {  	s2 =	sshll.u32 s8, $0xA  }
0x4a: {  	s2 =	sadd.s32 s9, s2  }
0x4b: {  	s6 =	rddreg [dreg:$0x1];
	s14 =	sshrl.u32 s2, $0x3  }
0x4c: {  	s2 =	simm.s32 $0x0;
	s15 =	sadd.s32 s6, s14;
	s6 =	simm.s32 $0x280  }
0x4d: {  	[tilespmem:s6], [sflag:$0x2] =	stream.linear.gather [hbm4b:s15+s2], $0x400, $0x38;
	[tilespmem:$0x8E00] =	vst v63  }
0x4e: {  	_ =	swait.ge [sflag:s13], $0x400  }
0x4f: {  	[sflag:s13] =	ssyncset.done $0x0;
	s15 =	rddreg [dreg:$0x8]  }
0x50: {  	[sflag:s13] =	ssyncadd.s32 $0xFFFFFC00;
	s14 =	sadd.s32 s15, s14;
	s15 =	simm.s32 $0x680  }
0x51: {  	[tilespmem:s15], [sflag:$0x2] =	stream.linear.gather [hbm4b:s14+s2], $0x400, $0x38;
	[tilespmem:$0x8E00] =	vst v63  }
0x52: {  	_ =	swait.ge [sflag:s13], $0x400  }
0x53: {  	[sflag:s13] =	ssyncset.done $0x0  }
0x54: {  	[sflag:s13] =	ssyncadd.s32 $0xFFFFFC00  }
.LBB2_3:
0x55: {  	s14 =	sshra.s32 s2, $0x2  }
0x56: {  	v5 =	vld [tilespmem:s14+$0x680];
	_ =	sdelay $0x4  }
0x57: {  	[tilespmem:$0xA80] =	vst v5  }
0x58: {  	v5 =	vld [tilespmem:s14+$0x690];
	_ =	sdelay $0x4  }
0x59: {  	[tilespmem:$0xA90] =	vst v5  }
0x5a: {  	v5 =	vld [tilespmem:s14+$0x6A0];
	_ =	sdelay $0x4  }
0x5b: {  	[tilespmem:$0xAA0] =	vst v5  }
0x5c: {  	v5 =	vld [tilespmem:s14+$0x6B0];
	_ =	sdelay $0x4  }
0x5d: {  	[tilespmem:$0xAB0] =	vst v5  }
0x5e: {  	v5 =	vld [tilespmem:s14+$0x6C0];
	_ =	sdelay $0x4  }
0x5f: {  	[tilespmem:$0xAC0] =	vst v5  }
0x60: {  	v5 =	vld [tilespmem:s14+$0x6D0];
	_ =	sdelay $0x4  }
0x61: {  	[tilespmem:$0xAD0] =	vst v5  }
0x62: {  	v5 =	vld [tilespmem:s14+$0x6E0];
	_ =	sdelay $0x4  }
0x63: {  	[tilespmem:$0xAE0] =	vst v5  }
0x64: {  	v5 =	vld [tilespmem:s14+$0x6F0];
	_ =	sdelay $0x4  }
0x65: {  	[tilespmem:$0xAF0] =	vst v5  }
0x66: {  	v5 =	vld [tilespmem:s14+$0x280];
	_ =	sdelay $0x4  }
0x67: {  	v6 =	vshll.u32 v5, $0x1  }
0x68: {  	v5 =	vand.u32 $0x7, v5;
	v6 =	vand.u32 $0xFFFFFFF0, v6  }
0x69: {  	v5 =	vor.u32 v5, v6  }
0x6a: {  	v6 =	vperm.xlane v5, v2;
	_ =	sdelay $0x1  }
0x6b: {  	v5 =	vperm.xlane v5, v4;
	v6 =	vadd.s32 v3, v6;
	_ =	sdelay $0x1  }
0x6c: {  	v5 =	vadd.s32 v3, v5;
	_ =	sdelay $0x2  }
0x6d: {  	[tilespmem:s16], [sflag:$0x1] =	stream.indirect_vreg.gather [hbm4b:s1+s5], $0x80, v6, vm0, $0xb8;
	[tilespmem:$0x8E00] =	vst v63  }
0x6e: {  	_ = 	snop  }
0x6f: {  	[tilespmem:s17], [sflag:$0x1] =	stream.indirect_vreg.gather [hbm4b:s1+s5], $0x80, v5, vm0, $0xb8;
	[tilespmem:$0x8E00] =	vst v63  }
0x70: {  	v5 =	vld [tilespmem:s14+$0x290];
	_ =	sdelay $0x4  }
0x71: {  	v6 =	vshll.u32 v5, $0x1  }
0x72: {  	v5 =	vand.u32 $0x7, v5;
	v6 =	vand.u32 $0xFFFFFFF0, v6  }
0x73: {  	v5 =	vor.u32 v5, v6  }
0x74: {  	v6 =	vperm.xlane v5, v2;
	_ =	sdelay $0x1  }
0x75: {  	v5 =	vperm.xlane v5, v4;
	v6 =	vadd.s32 v3, v6;
	_ =	sdelay $0x1  }
0x76: {  	v5 =	vadd.s32 v3, v5;
	_ =	sdelay $0x2  }
0x77: {  	[tilespmem:s18], [sflag:$0x1] =	stream.indirect_vreg.gather [hbm4b:s1+s5], $0x80, v6, vm0, $0xb8;
	[tilespmem:$0x8E00] =	vst v63  }
0x78: {  	_ = 	snop  }
0x79: {  	[tilespmem:s19], [sflag:$0x1] =	stream.indirect_vreg.gather [hbm4b:s1+s5], $0x80, v5, vm0, $0xb8;
	[tilespmem:$0x8E00] =	vst v63  }
0x7a: {  	v5 =	vld [tilespmem:s14+$0x2A0];
	_ =	sdelay $0x4  }
0x7b: {  	v6 =	vshll.u32 v5, $0x1  }
0x7c: {  	v5 =	vand.u32 $0x7, v5;
	v6 =	vand.u32 $0xFFFFFFF0, v6  }
0x7d: {  	v5 =	vor.u32 v5, v6  }
0x7e: {  	v6 =	vperm.xlane v5, v2;
	_ =	sdelay $0x1  }
0x7f: {  	v5 =	vperm.xlane v5, v4;
	v6 =	vadd.s32 v3, v6;
	_ =	sdelay $0x1  }
0x80: {  	v5 =	vadd.s32 v3, v5;
	_ =	sdelay $0x2  }
0x81: {  	[tilespmem:s20], [sflag:$0x1] =	stream.indirect_vreg.gather [hbm4b:s1+s5], $0x80, v6, vm0, $0xb8;
	[tilespmem:$0x8E00] =	vst v63  }
0x82: {  	_ = 	snop  }
0x83: {  	[tilespmem:s21], [sflag:$0x1] =	stream.indirect_vreg.gather [hbm4b:s1+s5], $0x80, v5, vm0, $0xb8;
	[tilespmem:$0x8E00] =	vst v63  }
0x84: {  	v5 =	vld [tilespmem:s14+$0x2B0];
	_ =	sdelay $0x4  }
0x85: {  	v6 =	vshll.u32 v5, $0x1  }
0x86: {  	v5 =	vand.u32 $0x7, v5;
	v6 =	vand.u32 $0xFFFFFFF0, v6  }
0x87: {  	v5 =	vor.u32 v5, v6  }
0x88: {  	v6 =	vperm.xlane v5, v2;
	_ =	sdelay $0x1  }
0x89: {  	v5 =	vperm.xlane v5, v4;
	v6 =	vadd.s32 v3, v6;
	_ =	sdelay $0x1  }
0x8a: {  	v5 =	vadd.s32 v3, v5;
	_ =	sdelay $0x2  }
0x8b: {  	[tilespmem:s22], [sflag:$0x1] =	stream.indirect_vreg.gather [hbm4b:s1+s5], $0x80, v6, vm0, $0xb8;
	[tilespmem:$0x8E00] =	vst v63  }
0x8c: {  	_ = 	snop  }
0x8d: {  	[tilespmem:s23], [sflag:$0x1] =	stream.indirect_vreg.gather [hbm4b:s1+s5], $0x80, v5, vm0, $0xb8;
	[tilespmem:$0x8E00] =	vst v63  }
0x8e: {  	v5 =	vld [tilespmem:s14+$0x2C0];
	_ =	sdelay $0x4  }
0x8f: {  	v6 =	vshll.u32 v5, $0x1  }
0x90: {  	v5 =	vand.u32 $0x7, v5;
	v6 =	vand.u32 $0xFFFFFFF0, v6  }
0x91: {  	v5 =	vor.u32 v5, v6  }
0x92: {  	v6 =	vperm.xlane v5, v2;
	_ =	sdelay $0x1  }
0x93: {  	v5 =	vperm.xlane v5, v4;
	v6 =	vadd.s32 v3, v6;
	_ =	sdelay $0x1  }
0x94: {  	v5 =	vadd.s32 v3, v5;
	_ =	sdelay $0x2  }
0x95: {  	[tilespmem:s24], [sflag:$0x1] =	stream.indirect_vreg.gather [hbm4b:s1+s5], $0x80, v6, vm0, $0xb8;
	[tilespmem:$0x8E00] =	vst v63  }
0x96: {  	_ = 	snop  }
0x97: {  	[tilespmem:s25], [sflag:$0x1] =	stream.indirect_vreg.gather [hbm4b:s1+s5], $0x80, v5, vm0, $0xb8;
	[tilespmem:$0x8E00] =	vst v63  }
0x98: {  	v5 =	vld [tilespmem:s14+$0x2D0];
	_ =	sdelay $0x4  }
0x99: {  	v6 =	vshll.u32 v5, $0x1  }
0x9a: {  	v5 =	vand.u32 $0x7, v5;
	v6 =	vand.u32 $0xFFFFFFF0, v6  }
0x9b: {  	v5 =	vor.u32 v5, v6  }
0x9c: {  	v6 =	vperm.xlane v5, v2;
	_ =	sdelay $0x1  }
0x9d: {  	v5 =	vperm.xlane v5, v4;
	v6 =	vadd.s32 v3, v6;
	_ =	sdelay $0x1  }
0x9e: {  	v5 =	vadd.s32 v3, v5;
	_ =	sdelay $0x2  }
0x9f: {  	[tilespmem:s26], [sflag:$0x1] =	stream.indirect_vreg.gather [hbm4b:s1+s5], $0x80, v6, vm0, $0xb8;
	[tilespmem:$0x8E00] =	vst v63  }
0xa0: {  	_ = 	snop  }
0xa1: {  	[tilespmem:s28], [sflag:$0x1] =	stream.indirect_vreg.gather [hbm4b:s1+s5], $0x80, v5, vm0, $0xb8;
	[tilespmem:$0x8E00] =	vst v63  }
0xa2: {  	v5 =	vld [tilespmem:s14+$0x2E0];
	_ =	sdelay $0x4  }
0xa3: {  	v6 =	vshll.u32 v5, $0x1  }
0xa4: {  	v5 =	vand.u32 $0x7, v5;
	v6 =	vand.u32 $0xFFFFFFF0, v6  }
0xa5: {  	v5 =	vor.u32 v5, v6  }
0xa6: {  	v6 =	vperm.xlane v5, v2;
	_ =	sdelay $0x1  }
0xa7: {  	v5 =	vperm.xlane v5, v4;
	v6 =	vadd.s32 v3, v6;
	_ =	sdelay $0x1  }
0xa8: {  	v5 =	vadd.s32 v3, v5;
	_ =	sdelay $0x2  }
0xa9: {  	[tilespmem:s29], [sflag:$0x1] =	stream.indirect_vreg.gather [hbm4b:s1+s5], $0x80, v6, vm0, $0xb8;
	[tilespmem:$0x8E00] =	vst v63  }
0xaa: {  	_ = 	snop  }
0xab: {  	[tilespmem:s30], [sflag:$0x1] =	stream.indirect_vreg.gather [hbm4b:s1+s5], $0x80, v5, vm0, $0xb8;
	[tilespmem:$0x8E00] =	vst v63  }
0xac: {  	v5 =	vld [tilespmem:s14+$0x2F0];
	_ =	sdelay $0x4  }
0xad: {  	v6 =	vshll.u32 v5, $0x1  }
0xae: {  	v5 =	vand.u32 $0x7, v5;
	v6 =	vand.u32 $0xFFFFFFF0, v6  }
0xaf: {  	v5 =	vor.u32 v5, v6  }
0xb0: {  	v6 =	vperm.xlane v5, v2;
	_ =	sdelay $0x1  }
0xb1: {  	v5 =	vperm.xlane v5, v4;
	v6 =	vadd.s32 v3, v6;
	_ =	sdelay $0x1  }
0xb2: {  	v5 =	vadd.s32 v3, v5;
	_ =	sdelay $0x2  }
0xb3: {  	[tilespmem:s31], [sflag:$0x1] =	stream.indirect_vreg.gather [hbm4b:s1+s5], $0x80, v6, vm0, $0xb8;
	[tilespmem:$0x8E00] =	vst v63  }
0xb4: {  	_ = 	snop  }
0xb5: {  	[tilespmem:s0], [sflag:$0x1] =	stream.indirect_vreg.gather [hbm4b:s1+s5], $0x80, v5, vm0, $0xb8;
	[tilespmem:$0x8E00] =	vst v63  }
0xb6: {  	_ =	swait.ge [sflag:s3], $0x8000  }
0xb7: {  	[sflag:s3] =	ssyncset.done $0x0  }
0xb8: {  	[sflag:s3] =	ssyncadd.s32 $0xFFFF8000  }
0xb9: {  	v5 =	vld [tilespmem:$0xA80];
	_ =	sdelay $0x4  }
0xba: {  	v6 =	vshll.u32 v5, $0x1  }
0xbb: {  	v5 =	vand.u32 $0x7, v5;
	v6 =	vand.u32 $0xFFFFFFF0, v6  }
0xbc: {  	v5 =	vor.u32 v5, v6  }
0xbd: {  	v6 =	vperm.xlane v5, v2;
	_ =	sdelay $0x1  }
0xbe: {  	v5 =	vperm.xlane v5, v4;
	v6 =	vadd.s32 v3, v6;
	_ =	sdelay $0x1  }
0xbf: {  	v5 =	vadd.s32 v3, v5;
	_ =	sdelay $0x2  }
0xc0: {  	[hbm4b:s7+s5] =	stream.indirect_vreg.scatter [tilespmem:s16], [sflag:$0x2], $0x80, v6, vm0, $0xb8;
	[tilespmem:$0x8E00] =	vst v63  }
0xc1: {  	_ = 	snop  }
0xc2: {  	[hbm4b:s7+s5] =	stream.indirect_vreg.scatter [tilespmem:s17], [sflag:$0x2], $0x80, v5, vm0, $0xb8;
	[tilespmem:$0x8E00] =	vst v63  }
0xc3: {  	v5 =	vld [tilespmem:$0xA90];
	_ =	sdelay $0x4  }
0xc4: {  	v6 =	vshll.u32 v5, $0x1  }
0xc5: {  	v5 =	vand.u32 $0x7, v5;
	v6 =	vand.u32 $0xFFFFFFF0, v6  }
0xc6: {  	v5 =	vor.u32 v5, v6  }
0xc7: {  	v6 =	vperm.xlane v5, v2;
	_ =	sdelay $0x1  }
0xc8: {  	v5 =	vperm.xlane v5, v4;
	v6 =	vadd.s32 v3, v6;
	_ =	sdelay $0x1  }
0xc9: {  	v5 =	vadd.s32 v3, v5;
	_ =	sdelay $0x2  }
0xca: {  	[hbm4b:s7+s5] =	stream.indirect_vreg.scatter [tilespmem:s18], [sflag:$0x2], $0x80, v6, vm0, $0xb8;
	[tilespmem:$0x8E00] =	vst v63  }
0xcb: {  	_ = 	snop  }
0xcc: {  	[hbm4b:s7+s5] =	stream.indirect_vreg.scatter [tilespmem:s19], [sflag:$0x2], $0x80, v5, vm0, $0xb8;
	[tilespmem:$0x8E00] =	vst v63  }
0xcd: {  	v5 =	vld [tilespmem:$0xAA0];
	_ =	sdelay $0x4  }
0xce: {  	v6 =	vshll.u32 v5, $0x1  }
0xcf: {  	v5 =	vand.u32 $0x7, v5;
	v6 =	vand.u32 $0xFFFFFFF0, v6  }
0xd0: {  	v5 =	vor.u32 v5, v6  }
0xd1: {  	v6 =	vperm.xlane v5, v2;
	_ =	sdelay $0x1  }
0xd2: {  	v5 =	vperm.xlane v5, v4;
	v6 =	vadd.s32 v3, v6;
	_ =	sdelay $0x1  }
0xd3: {  	v5 =	vadd.s32 v3, v5;
	_ =	sdelay $0x2  }
0xd4: {  	[hbm4b:s7+s5] =	stream.indirect_vreg.scatter [tilespmem:s20], [sflag:$0x2], $0x80, v6, vm0, $0xb8;
	[tilespmem:$0x8E00] =	vst v63  }
0xd5: {  	_ = 	snop  }
0xd6: {  	[hbm4b:s7+s5] =	stream.indirect_vreg.scatter [tilespmem:s21], [sflag:$0x2], $0x80, v5, vm0, $0xb8;
	[tilespmem:$0x8E00] =	vst v63  }
0xd7: {  	v5 =	vld [tilespmem:$0xAB0];
	_ =	sdelay $0x4  }
0xd8: {  	v6 =	vshll.u32 v5, $0x1  }
0xd9: {  	v5 =	vand.u32 $0x7, v5;
	v6 =	vand.u32 $0xFFFFFFF0, v6  }
0xda: {  	v5 =	vor.u32 v5, v6  }
0xdb: {  	v6 =	vperm.xlane v5, v2;
	_ =	sdelay $0x1  }
0xdc: {  	v5 =	vperm.xlane v5, v4;
	v6 =	vadd.s32 v3, v6;
	_ =	sdelay $0x1  }
0xdd: {  	v5 =	vadd.s32 v3, v5;
	_ =	sdelay $0x2  }
0xde: {  	[hbm4b:s7+s5] =	stream.indirect_vreg.scatter [tilespmem:s22], [sflag:$0x2], $0x80, v6, vm0, $0xb8;
	[tilespmem:$0x8E00] =	vst v63  }
0xdf: {  	_ = 	snop  }
0xe0: {  	[hbm4b:s7+s5] =	stream.indirect_vreg.scatter [tilespmem:s23], [sflag:$0x2], $0x80, v5, vm0, $0xb8;
	[tilespmem:$0x8E00] =	vst v63  }
0xe1: {  	v5 =	vld [tilespmem:$0xAC0];
	_ =	sdelay $0x4  }
0xe2: {  	v6 =	vshll.u32 v5, $0x1  }
0xe3: {  	v5 =	vand.u32 $0x7, v5;
	v6 =	vand.u32 $0xFFFFFFF0, v6  }
0xe4: {  	v5 =	vor.u32 v5, v6  }
0xe5: {  	v6 =	vperm.xlane v5, v2;
	_ =	sdelay $0x1  }
0xe6: {  	v5 =	vperm.xlane v5, v4;
	v6 =	vadd.s32 v3, v6;
	_ =	sdelay $0x1  }
0xe7: {  	v5 =	vadd.s32 v3, v5;
	_ =	sdelay $0x2  }
0xe8: {  	[hbm4b:s7+s5] =	stream.indirect_vreg.scatter [tilespmem:s24], [sflag:$0x2], $0x80, v6, vm0, $0xb8;
	[tilespmem:$0x8E00] =	vst v63  }
0xe9: {  	_ = 	snop  }
0xea: {  	[hbm4b:s7+s5] =	stream.indirect_vreg.scatter [tilespmem:s25], [sflag:$0x2], $0x80, v5, vm0, $0xb8;
	[tilespmem:$0x8E00] =	vst v63  }
0xeb: {  	v5 =	vld [tilespmem:$0xAD0];
	_ =	sdelay $0x4  }
0xec: {  	v6 =	vshll.u32 v5, $0x1  }
0xed: {  	v5 =	vand.u32 $0x7, v5;
	v6 =	vand.u32 $0xFFFFFFF0, v6  }
0xee: {  	v5 =	vor.u32 v5, v6  }
0xef: {  	v6 =	vperm.xlane v5, v2;
	_ =	sdelay $0x1  }
0xf0: {  	v5 =	vperm.xlane v5, v4;
	v6 =	vadd.s32 v3, v6;
	_ =	sdelay $0x1  }
0xf1: {  	v5 =	vadd.s32 v3, v5;
	_ =	sdelay $0x2  }
0xf2: {  	[hbm4b:s7+s5] =	stream.indirect_vreg.scatter [tilespmem:s26], [sflag:$0x2], $0x80, v6, vm0, $0xb8;
	[tilespmem:$0x8E00] =	vst v63  }
0xf3: {  	_ = 	snop  }
0xf4: {  	[hbm4b:s7+s5] =	stream.indirect_vreg.scatter [tilespmem:s28], [sflag:$0x2], $0x80, v5, vm0, $0xb8;
	[tilespmem:$0x8E00] =	vst v63  }
0xf5: {  	v5 =	vld [tilespmem:$0xAE0];
	_ =	sdelay $0x4  }
0xf6: {  	v6 =	vshll.u32 v5, $0x1  }
0xf7: {  	v5 =	vand.u32 $0x7, v5;
	v6 =	vand.u32 $0xFFFFFFF0, v6  }
0xf8: {  	v5 =	vor.u32 v5, v6  }
0xf9: {  	v6 =	vperm.xlane v5, v2;
	_ =	sdelay $0x1  }
0xfa: {  	v5 =	vperm.xlane v5, v4;
	v6 =	vadd.s32 v3, v6;
	_ =	sdelay $0x1  }
0xfb: {  	v5 =	vadd.s32 v3, v5;
	_ =	sdelay $0x2  }
0xfc: {  	[hbm4b:s7+s5] =	stream.indirect_vreg.scatter [tilespmem:s29], [sflag:$0x2], $0x80, v6, vm0, $0xb8;
	[tilespmem:$0x8E00] =	vst v63  }
0xfd: {  	_ = 	snop  }
0xfe: {  	[hbm4b:s7+s5] =	stream.indirect_vreg.scatter [tilespmem:s30], [sflag:$0x2], $0x80, v5, vm0, $0xb8;
	[tilespmem:$0x8E00] =	vst v63  }
0xff: {  	v5 =	vld [tilespmem:$0xAF0];
	_ =	sdelay $0x4  }
0x100: {  	v6 =	vshll.u32 v5, $0x1  }
0x101: {  	v5 =	vand.u32 $0x7, v5;
	v6 =	vand.u32 $0xFFFFFFF0, v6  }
0x102: {  	v5 =	vor.u32 v5, v6  }
0x103: {  	v6 =	vperm.xlane v5, v2;
	_ =	sdelay $0x1  }
0x104: {  	v5 =	vperm.xlane v5, v4;
	v6 =	vadd.s32 v3, v6;
	_ =	sdelay $0x1  }
0x105: {  	v5 =	vadd.s32 v3, v5;
	_ =	sdelay $0x2  }
0x106: {  	[hbm4b:s7+s5] =	stream.indirect_vreg.scatter [tilespmem:s31], [sflag:$0x2], $0x80, v6, vm0, $0xb8;
	[tilespmem:$0x8E00] =	vst v63  }
0x107: {  	_ = 	snop  }
0x108: {  	[hbm4b:s7+s5] =	stream.indirect_vreg.scatter [tilespmem:s0], [sflag:$0x2], $0x80, v5, vm0, $0xb8;
	[tilespmem:$0x8E00] =	vst v63  }
0x109: {  	_ =	swait.ge [sflag:s13], $0x8000  }
0x10a: {  	p0 =	sne.s32 s2, $0xE00;
	[sflag:s13] =	ssyncset.done $0x0  }
.Ltmp0:
0x10b: {  	[sflag:s13] =	ssyncadd.s32 $0xFFFF8000;
	(pc) =	sbr.rel @p0 .LBB2_3-.Ltmp0, $4  }
0x10c: {  	[spmem:s4] =	stream.indirect.scatter.add.f32 [tilespmem:s12], [sflag:$0x2], $0x1, s11, s10, $0xb8;
	[tilespmem:$0x8E00] =	vst v63  }
0x10d: {  	_ =	swait.ge [sflag:s13], $0x80  }
0x10e: {  	[sflag:s13] =	ssyncset.done $0x0  }
0x10f: {  	s2 =	sadd.s32 $0x200, s2;
	[sflag:s13] =	ssyncadd.s32 $0xFFFFFF80  }
0x110: {  	s8 =	sadd.s32 $0x1, s8  }
0x111: {  	p0 =	sne.s32 s8, $0x5  }
.Ltmp1:
0x112: {  	_ = 	snop;
	(pc) =	sbr.rel @p0 .LBB2_2-.Ltmp1, $1  }
0x113: {  	_ =	sdelay $0x3  }
0x114: {  	[bflag:$0x0] =	sbarrier.arrive $0xFFFF  }
0x115: {  	s8 =	simm.s32 $0x8B80;
	s14 =	rddreg [dreg:$0x5]  }
0x116: {  	[tilespmem:s8], [sflag:$0x2] =	stream.linear.gather [spmem:s14], $0x280, $0x38;
	[tilespmem:$0x8E00] =	vst v63  }
0x117: {  	_ =	swait.ge [sflag:s13], $0x280  }
0x118: {  	[sflag:s13] =	ssyncset.done $0x0  }
0x119: {  	s2 =	rddreg [dreg:$0x6];
	[sflag:s13] =	ssyncadd.s32 $0xFFFFFD80  }
0x11a: {  	[hbm4b:s2+s5] =	stream.linear.scatter [tilespmem:s8], [sflag:$0x2], $0x280, $0x38;
	[tilespmem:$0x8E00] =	vst v63  }
0x11b: {  	_ =	swait.ge [sflag:s13], $0x280  }
0x11c: {  	s6 =	rddreg [dreg:$0x9]  }
0x11d: {  	s15 =	rddreg [dreg:$0x7];
	s6 =	sadd.s32 $0x1, s6  }
0x11e: {  	p0 =	sne.s32 s6, s15  }
.Ltmp2:
0x11f: {  	_ = 	snop;
	(pc) =	sbr.rel @p0 .LBB2_1-.Ltmp2, $3  }
0x120: {  	_ =	sdelay $0x1  }
0x121: {  	[sflag:s13] =	ssyncset.done $0x0  }
0x122: {  	[sflag:s13] =	ssyncadd.s32 $0xFFFFFD80  }
0x123: {  	_ =	sfence.sel $0x180000  }
0x124: {  	[bflag:$0x0] =	sbarrier.arrive $0xFFFF  }
0x125: {  	_ =	strace $0x90000047  }
0x126: {  	s0 =	stileid.u32;
	[bflag:$0x2] =	sbarrier.arrive $0xFFFF  }
0x127: {  	p0 =	sne.s32 s0, $0x0;
	s0 =	rddreg [dreg:$0x4]  }
0x128: {  	s0 =	sadd.s32 @!p0 $0x100000, s0  }
0x129: {  	[sflag:s0] =	ssyncadd.tile.s32 @!p0 $0x1;
	_ =	shalt  }
.Lfunc_end2:
_tile_overlayer_lowered:
.L_overlay_start_2:
0x12a: {  	(tag) =	ssettag $0x2  }
0x12b: {  	s0 =	rddreg [dreg:$0x0];
	s2 =	stileid.u32  }
0x12c: {  	s1 =	rddreg [dreg:$0x1];
	p0 =	sne.s32 s2, $0x0  }
0x12d: {  	s3 =	rddreg [dreg:$0x2];
	[bflag:$0x3] =	sbarrier.arrive $0xFFFF;
	s2 =	simm.s32 @!p0 $0x1C02  }
0x12e: {  	[timem:s3], [sflag:s2] =	dma.local @!p0 [hbm:s0], s1  }
0x12f: {  	s0 =	simm.s32 @!p0 $0x2  }
0x130: {  	_ =	swait.ge @!p0 [sflag:s0], s1  }
0x131: {  	s1 =	ssub.s32 @!p0 $0x0, s1;
	[sflag:s0] =	ssyncset.done @!p0 $0x0  }
0x132: {  	[sflag:s0] =	ssyncadd.s32 @!p0 s1  }
0x133: {  	[bflag:$0x3] =	sbarrier.arrive $0xFFFF  }
0x134: {  	_ =	shalt  }

</sc_bundles>
